<compile_context>
chip_gen: v7x
topology: tpu7x:2x2x1
jax: 0.10.2.dev20260603
libtpu: 0.0.44.dev20260713+nightly
codegen_flags: <defaults>
</compile_context>

<pallas_src>
import functools

import jax
import jax.numpy as jnp
from jax.experimental import pallas as pl
from jax.experimental.pallas import tpu as pltpu
from jax.experimental.pallas import tpu_sc as plsc

_CHUNK = 8192


def _split3(v):
    h = v.astype(jnp.bfloat16)
    r1 = v - h.astype(jnp.float32)
    m = r1.astype(jnp.bfloat16)
    r2 = r1 - m.astype(jnp.float32)
    l = r2.astype(jnp.bfloat16)
    return h, m, l


def _bdot(a, b, dims=((1,), (1,))):
    return jax.lax.dot_general(
        a, b, (dims, ((), ())), preferred_element_type=jnp.float32)


def _rank_body(x_ref, w_ref, out_ref, bv_ref, bi_ref):
    i = pl.program_id(0)
    c = w_ref.shape[1]

    @pl.when(i == 0)
    def _init():
        bv_ref[...] = jnp.full(bv_ref.shape, jnp.inf, jnp.float32)
        bi_ref[...] = jnp.zeros(bi_ref.shape, jnp.int32)

    x = x_ref[...]
    wb = w_ref[0]

    xh, xm, xl = _split3(-2.0 * x)
    wh, wm, wl = _split3(wb)
    s2 = ((_bdot(xh, wh) + _bdot(xh, wm))
          + (_bdot(xm, wh) + _bdot(xh, wl))
          + (_bdot(xm, wm) + _bdot(xl, wh)))

    wsqc = jnp.sum(wb * wb, axis=1, keepdims=True)
    qh, qm, ql = _split3(wsqc)
    ones = jnp.ones((x.shape[0], 1), jnp.bfloat16)
    wsqb = _bdot(ones, qh) + _bdot(ones, qm) + _bdot(ones, ql)

    dist = wsqb + s2
    iota = jax.lax.broadcasted_iota(jnp.int32, dist.shape, 1)
    m1 = jnp.min(dist, axis=1, keepdims=True)
    idx1 = jnp.min(jnp.where(dist == m1, iota, jnp.int32(c)),
                   axis=1, keepdims=True)
    g1 = idx1 + i * c

    bv = bv_ref[...]
    bi = bi_ref[...]
    t = m1 < bv
    bv = jnp.where(t, m1, bv)
    bi = jnp.where(t, g1, bi)
    bv_ref[...] = bv
    bi_ref[...] = bi

    @pl.when(i == pl.num_programs(0) - 1)
    def _finish():
        out_ref[:, 0:1] = 2 * bi
        out_ref[:, 1:2] = 2 * bi + 1


def _tc_rank(x, w3d):
    _, p, d = w3d.shape
    b = x.shape[0]
    n_chunks = p // _CHUNK
    return pl.pallas_call(
        _rank_body,
        grid=(n_chunks,),
        in_specs=[
            pl.BlockSpec((b, d), lambda i: (0, 0)),
            pl.BlockSpec((1, _CHUNK, d), lambda i: (0, i, 0)),
        ],
        out_specs=pl.BlockSpec((b, 2), lambda i: (0, 0)),
        out_shape=jax.ShapeDtypeStruct((b, 2), jnp.int32),
        scratch_shapes=[
            pltpu.VMEM((b, 1), jnp.float32),
            pltpu.VMEM((b, 1), jnp.int32),
        ],
    )(x, w3d)


def _sc_gather(gf1d, idx):
    n = idx.shape[0]
    mesh = plsc.VectorSubcoreMesh(core_axis_name="c", subcore_axis_name="s")

    @functools.partial(
        pl.kernel,
        mesh=mesh,
        out_type=jax.ShapeDtypeStruct((n,), jnp.float32),
        scratch_types=[
            pltpu.VMEM((n,), jnp.int32),
            pltpu.VMEM((n,), jnp.float32),
            pltpu.SemaphoreType.DMA,
        ],
    )
    def gather_k(gf_hbm, idx_hbm, out_hbm, idx_v, vals_v, sem):
        wid = jax.lax.axis_index("s") * 2 + jax.lax.axis_index("c")

        @pl.when(wid == 0)
        def _():
            pltpu.sync_copy(idx_hbm, idx_v)
            pltpu.async_copy(gf_hbm.at[idx_v], vals_v, sem).wait()
            pltpu.sync_copy(vals_v, out_hbm)

    return gather_k(gf1d, idx)


def kernel(x, grid_flattened, w):
    b = x.shape[0]
    pairs = _tc_rank(x, w)
    gf1d = grid_flattened.reshape(-1)
    vals = _sc_gather(gf1d, pairs.reshape(-1))
    return vals.reshape(b, 2)

# --- scband reference (transcript-rebuilt; emitter-appended) ---
"""Pipeline reference for scband-lattice-71287867179278 (READ-ONLY COPY).

The authoritative reference and input builder live on the scoring server;
editing this copy changes nothing except your own understanding.
"""

import jax, jax.numpy as jnp
import numpy as np

GRID_SHAPE = (256, 256)
D = 32
B = 32


def setup_inputs(seed: int = 0) -> dict:
    key = jax.random.key(seed)
    k1, k2 = jax.random.split(key)
    x = jax.random.normal(k1, (B, D), dtype=jnp.float32)
    # build meshgrid exactly as the layer does in build(): indices 'ij', stacked on last axis
    axes = [jnp.arange(s, dtype=jnp.int32) for s in GRID_SHAPE]
    mesh = jnp.stack(jnp.meshgrid(*axes, indexing='ij'), axis=-1)  # [256,256,2]
    gf = jnp.reshape(mesh, (1, -1, len(GRID_SHAPE))).astype(jnp.float32)  # [1, P, 2]
    gf = (gf - jnp.mean(gf, axis=1, keepdims=True)) / jnp.std(gf, axis=1, keepdims=True)
    P = int(np.prod(GRID_SHAPE))
    w = jax.random.normal(k2, (1, P, D), dtype=jnp.float32)  # non-trainable SOM weights
    return {"x": x, "grid_flattened": gf, "w": w}


def reference(x, grid_flattened, w):
    # _get_BMUs with hm_neighbors=1
    xe = jnp.expand_dims(x, axis=1)  # [B, 1, D]
    activation_distance = jnp.abs(xe - w)          # [B, P, D]
    activation_distance = jnp.square(activation_distance)
    activation_distance = jnp.sum(activation_distance, axis=-1)  # [B, P]
    values_neg, indices = jax.lax.top_k(-jnp.abs(activation_distance), 1)  # [B, 1]
    bmu = jnp.take(grid_flattened[0], indices[:, 0], axis=0)  # [B, 2]
    return bmu

if __name__ == "__main__":
    import jax
    _d = setup_inputs()
    print(jax.jit(kernel)(*tuple(_d.values())))

</pallas_src>

<mosaic_0001>
#map = affine_map<(d0, d1) -> (0)>
module attributes {stable_mosaic.version = 14 : i64} {
  func.func @gather_k(%arg0: i32, %arg1: i32, %arg2: memref<131072xf32, #tpu.memory_space<hbm>>, %arg3: memref<64xi32, #tpu.memory_space<hbm>>, %arg4: memref<64xf32, #tpu.memory_space<hbm>>, %arg5: memref<64xi32, #tpu.memory_space<vmem>>, %arg6: memref<64xf32, #tpu.memory_space<vmem>>, %arg7: memref<!tpu.dma_semaphore, #tpu.memory_space<semaphore_mem>>) attributes {dimension_semantics = [#tpu.dimension_semantics<core_parallel>, #tpu.dimension_semantics<subcore_parallel>], iteration_bounds = array<i64: 2, 16>, scalar_prefetch = 0 : i64, scratch_operands = 3 : i64, tpu.core_type = #tpu.core_type<sc_vector_subcore>, window_params = [{transform_indices = #map}, {transform_indices = #map}, {transform_indices = #map}]} {
    %mul3A = arith.constant 2 : i32
    %mul3A_0 = arith.muli %arg1, %mul3A : i32
    %add3A = arith.addi %mul3A_0, %arg0 : i32
    %eq3A = arith.constant 0 : i32
    %eq3A_1 = arith.cmpi eq, %add3A, %eq3A : i32
    %convert_element_type3A = arith.extui %eq3A_1 : i1 to i32
    %cond3A = arith.constant 0 : i32
    %cond3A_2 = arith.cmpi ne, %convert_element_type3A, %cond3A : i32
    scf.if %cond3A_2 {
      "tpu.region"() ({
        %run_scoped3A = tpu.sem_alloc : memref<!tpu.dma_semaphore, #tpu.memory_space<semaphore_mem>>
        tpu.enqueue_dma source(%arg3 : memref<64xi32, #tpu.memory_space<hbm>>) target(%arg5 : memref<64xi32, #tpu.memory_space<vmem>>) target_semaphore(%run_scoped3A : memref<!tpu.dma_semaphore, #tpu.memory_space<semaphore_mem>>)
        tpu.wait_dma2 semaphore(%run_scoped3A : memref<!tpu.dma_semaphore, #tpu.memory_space<semaphore_mem>>) src(%arg3 : memref<64xi32, #tpu.memory_space<hbm>>) dst(%arg5 : memref<64xi32, #tpu.memory_space<vmem>>)
        tpu.yield
      }) : () -> ()
      %dma_start3A = arith.constant 0 : i32
      %dma_start3A_3 = tpu.memref_slice %arg2[%dma_start3A] : memref<131072xf32, #tpu.memory_space<hbm>> -> memref<131072xf32, #tpu.memory_space<hbm>>
      tpu.enqueue_indirect_dma source(%dma_start3A_3 : memref<131072xf32, #tpu.memory_space<hbm>>) target(%arg6 : memref<64xf32, #tpu.memory_space<vmem>>) offsets(%arg5 : memref<64xi32, #tpu.memory_space<vmem>>) semaphore(%arg7 : memref<!tpu.dma_semaphore, #tpu.memory_space<semaphore_mem>>)
      %dma_wait3A = arith.constant 0 : i32
      %dma_wait3A_4 = tpu.memref_slice %arg2[%dma_wait3A] : memref<131072xf32, #tpu.memory_space<hbm>> -> memref<131072xf32, #tpu.memory_space<hbm>>
      tpu.wait_indirect_dma semaphore(%arg7 : memref<!tpu.dma_semaphore, #tpu.memory_space<semaphore_mem>>) src(%dma_wait3A_4 : memref<131072xf32, #tpu.memory_space<hbm>>) dst(%arg6 : memref<64xf32, #tpu.memory_space<vmem>>)
      "tpu.region"() ({
        %run_scoped3A = tpu.sem_alloc : memref<!tpu.dma_semaphore, #tpu.memory_space<semaphore_mem>>
        tpu.enqueue_dma source(%arg6 : memref<64xf32, #tpu.memory_space<vmem>>) target(%arg4 : memref<64xf32, #tpu.memory_space<hbm>>) target_semaphore(%run_scoped3A : memref<!tpu.dma_semaphore, #tpu.memory_space<semaphore_mem>>)
        tpu.wait_dma2 semaphore(%run_scoped3A : memref<!tpu.dma_semaphore, #tpu.memory_space<semaphore_mem>>) src(%arg6 : memref<64xf32, #tpu.memory_space<vmem>>) dst(%arg4 : memref<64xf32, #tpu.memory_space<hbm>>)
        tpu.yield
      }) : () -> ()
    } else {
    }
    return
  }
}

module attributes {stable_mosaic.version = 14 : i64} {
  func.func @_rank_body(%arg0: i32, %arg1: memref<32x32xf32, #tpu.memory_space<vmem>>, %arg2: memref<1x8192x32xf32, #tpu.memory_space<vmem>>, %arg3: memref<32x2xi32, #tpu.memory_space<vmem>>, %arg4: memref<32x1xf32, #tpu.memory_space<vmem>>, %arg5: memref<32x1xi32, #tpu.memory_space<vmem>>) attributes {dimension_semantics = [#tpu.dimension_semantics<arbitrary>], iteration_bounds = array<i64: 8>, scalar_prefetch = 0 : i64, scratch_operands = 2 : i64, tpu.core_type = #tpu.core_type<tc>, window_params = [{pipeline_mode = #tpu.pipeline_mode<synchronous>, transform_indices = @transform_0, window_bounds = array<i64: 32, 32>}, {transform_indices = @transform_1, window_bounds = array<i64: 1, 8192, 32>}, {pipeline_mode = #tpu.pipeline_mode<synchronous>, transform_indices = @transform_2, window_bounds = array<i64: 32, 2>}]} {
    %eq3A = arith.constant 0 : i32
    %eq3A_0 = arith.cmpi eq, %arg0, %eq3A : i32
    %convert_element_type3A = arith.extui %eq3A_0 : i1 to i32
    %cond3A = arith.constant 0 : i32
    %cond3A_1 = arith.cmpi ne, %convert_element_type3A, %cond3A : i32
    scf.if %cond3A_1 {
      %broadcast_in_dim3A_89 = arith.constant 0x7F800000 : f32
      %broadcast_in_dim3A_90 = vector.broadcast %broadcast_in_dim3A_89 : f32 to vector<32x1xf32>
      %swap3A_91 = arith.constant 0 : index
      %swap3A_92 = arith.constant 0 : index
      %swap3A_93 = vector.load %arg4[%swap3A_91, %swap3A_92] : memref<32x1xf32, #tpu.memory_space<vmem>>, vector<32x1xf32>
      tpu.vector_store %arg4[%swap3A_91, %swap3A_92], %broadcast_in_dim3A_90 {strides = array<i32>} : memref<32x1xf32, #tpu.memory_space<vmem>>, vector<32x1xf32>,
      %broadcast_in_dim3A_94 = arith.constant 0 : i32
      %broadcast_in_dim3A_95 = vector.broadcast %broadcast_in_dim3A_94 : i32 to vector<32x1xi32>
      %swap3A_96 = arith.constant 0 : index
      %swap3A_97 = arith.constant 0 : index
      %swap3A_98 = vector.load %arg5[%swap3A_96, %swap3A_97] : memref<32x1xi32, #tpu.memory_space<vmem>>, vector<32x1xi32>
      tpu.vector_store %arg5[%swap3A_96, %swap3A_97], %broadcast_in_dim3A_95 {strides = array<i32>} : memref<32x1xi32, #tpu.memory_space<vmem>>, vector<32x1xi32>,
    } else {
    }
    %get3A = arith.constant 0 : index
    %get3A_2 = arith.constant 0 : index
    %get3A_3 = vector.load %arg1[%get3A, %get3A_2] : memref<32x32xf32, #tpu.memory_space<vmem>>, vector<32x32xf32>
    %get3A_4 = arith.constant 0 : index
    %get3A_5 = arith.constant 0 : index
    %get3A_6 = arith.constant 0 : index
    %get3A_7 = vector.load %arg2[%get3A_4, %get3A_5, %get3A_6] : memref<1x8192x32xf32, #tpu.memory_space<vmem>>, vector<1x8192x32xf32>
    %get3A_8 = vector.shape_cast %get3A_7 : vector<1x8192x32xf32> to vector<8192x32xf32>
    %mul3A = arith.constant -2.000000e+00 : f32
    %mul3A_9 = vector.broadcast %mul3A : f32 to vector<32x32xf32>
    %mul3A_10 = arith.mulf %mul3A_9, %get3A_3 : vector<32x32xf32>
    %convert_element_type3A_11 = arith.truncf %mul3A_10 : vector<32x32xf32> to vector<32x32xbf16>
    %convert_element_type3A_12 = arith.extf %convert_element_type3A_11 : vector<32x32xbf16> to vector<32x32xf32>
    %sub3A = arith.subf %mul3A_10, %convert_element_type3A_12 : vector<32x32xf32>
    %convert_element_type3A_13 = arith.truncf %sub3A : vector<32x32xf32> to vector<32x32xbf16>
    %convert_element_type3A_14 = arith.extf %convert_element_type3A_13 : vector<32x32xbf16> to vector<32x32xf32>
    %sub3A_15 = arith.subf %sub3A, %convert_element_type3A_14 : vector<32x32xf32>
    %convert_element_type3A_16 = arith.truncf %sub3A_15 : vector<32x32xf32> to vector<32x32xbf16>
    %convert_element_type3A_17 = arith.truncf %get3A_8 : vector<8192x32xf32> to vector<8192x32xbf16>
    %convert_element_type3A_18 = arith.extf %convert_element_type3A_17 : vector<8192x32xbf16> to vector<8192x32xf32>
    %sub3A_19 = arith.subf %get3A_8, %convert_element_type3A_18 : vector<8192x32xf32>
    %convert_element_type3A_20 = arith.truncf %sub3A_19 : vector<8192x32xf32> to vector<8192x32xbf16>
    %convert_element_type3A_21 = arith.extf %convert_element_type3A_20 : vector<8192x32xbf16> to vector<8192x32xf32>
    %sub3A_22 = arith.subf %sub3A_19, %convert_element_type3A_21 : vector<8192x32xf32>
    %convert_element_type3A_23 = arith.truncf %sub3A_22 : vector<8192x32xf32> to vector<8192x32xbf16>
    %dot_general3A = arith.constant dense<0.000000e+00> : vector<32x8192xf32>
    %dot_general3A_24 = tpu.matmul %convert_element_type3A_11, %convert_element_type3A_17, %dot_general3A {dimension_numbers = #tpu.dot_dimension_numbers<[1], [1], [0], [0], [0, 0, 1, 0], [], []>, transpose_lhs_hint = false} : vector<32x32xbf16>, vector<8192x32xbf16>, vector<32x8192xf32> -> vector<32x8192xf32>
    %dot_general3A_25 = arith.constant dense<0.000000e+00> : vector<32x8192xf32>
    %dot_general3A_26 = tpu.matmul %convert_element_type3A_11, %convert_element_type3A_20, %dot_general3A_25 {dimension_numbers = #tpu.dot_dimension_numbers<[1], [1], [0], [0], [0, 0, 1, 0], [], []>, transpose_lhs_hint = false} : vector<32x32xbf16>, vector<8192x32xbf16>, vector<32x8192xf32> -> vector<32x8192xf32>
    %add3A = arith.addf %dot_general3A_24, %dot_general3A_26 : vector<32x8192xf32>
    %dot_general3A_27 = arith.constant dense<0.000000e+00> : vector<32x8192xf32>
    %dot_general3A_28 = tpu.matmul %convert_element_type3A_13, %convert_element_type3A_17, %dot_general3A_27 {dimension_numbers = #tpu.dot_dimension_numbers<[1], [1], [0], [0], [0, 0, 1, 0], [], []>, transpose_lhs_hint = false} : vector<32x32xbf16>, vector<8192x32xbf16>, vector<32x8192xf32> -> vector<32x8192xf32>
    %dot_general3A_29 = arith.constant dense<0.000000e+00> : vector<32x8192xf32>
    %dot_general3A_30 = tpu.matmul %convert_element_type3A_11, %convert_element_type3A_23, %dot_general3A_29 {dimension_numbers = #tpu.dot_dimension_numbers<[1], [1], [0], [0], [0, 0, 1, 0], [], []>, transpose_lhs_hint = false} : vector<32x32xbf16>, vector<8192x32xbf16>, vector<32x8192xf32> -> vector<32x8192xf32>
    %add3A_31 = arith.addf %dot_general3A_28, %dot_general3A_30 : vector<32x8192xf32>
    %add3A_32 = arith.addf %add3A, %add3A_31 : vector<32x8192xf32>
    %dot_general3A_33 = arith.constant dense<0.000000e+00> : vector<32x8192xf32>
    %dot_general3A_34 = tpu.matmul %convert_element_type3A_13, %convert_element_type3A_20, %dot_general3A_33 {dimension_numbers = #tpu.dot_dimension_numbers<[1], [1], [0], [0], [0, 0, 1, 0], [], []>, transpose_lhs_hint = false} : vector<32x32xbf16>, vector<8192x32xbf16>, vector<32x8192xf32> -> vector<32x8192xf32>
    %dot_general3A_35 = arith.constant dense<0.000000e+00> : vector<32x8192xf32>
    %dot_general3A_36 = tpu.matmul %convert_element_type3A_16, %convert_element_type3A_17, %dot_general3A_35 {dimension_numbers = #tpu.dot_dimension_numbers<[1], [1], [0], [0], [0, 0, 1, 0], [], []>, transpose_lhs_hint = false} : vector<32x32xbf16>, vector<8192x32xbf16>, vector<32x8192xf32> -> vector<32x8192xf32>
    %add3A_37 = arith.addf %dot_general3A_34, %dot_general3A_36 : vector<32x8192xf32>
    %add3A_38 = arith.addf %add3A_32, %add3A_37 : vector<32x8192xf32>
    %mul3A_39 = arith.mulf %get3A_8, %get3A_8 : vector<8192x32xf32>
    %reduce_sum3A = arith.constant dense<0.000000e+00> : vector<8192xf32>
    %reduce_sum3A_40 = vector.multi_reduction <add>, %mul3A_39, %reduce_sum3A [1] : vector<8192x32xf32> to vector<8192xf32>
    %broadcast_in_dim3A = vector.shape_cast %reduce_sum3A_40 : vector<8192xf32> to vector<8192x1xf32>
    %convert_element_type3A_41 = arith.truncf %broadcast_in_dim3A : vector<8192x1xf32> to vector<8192x1xbf16>
    %convert_element_type3A_42 = arith.extf %convert_element_type3A_41 : vector<8192x1xbf16> to vector<8192x1xf32>
    %sub3A_43 = arith.subf %broadcast_in_dim3A, %convert_element_type3A_42 : vector<8192x1xf32>
    %convert_element_type3A_44 = arith.truncf %sub3A_43 : vector<8192x1xf32> to vector<8192x1xbf16>
    %convert_element_type3A_45 = arith.extf %convert_element_type3A_44 : vector<8192x1xbf16> to vector<8192x1xf32>
    %sub3A_46 = arith.subf %sub3A_43, %convert_element_type3A_45 : vector<8192x1xf32>
    %convert_element_type3A_47 = arith.truncf %sub3A_46 : vector<8192x1xf32> to vector<8192x1xbf16>
    %broadcast_in_dim3A_48 = arith.constant 1.000000e+00 : bf16
    %broadcast_in_dim3A_49 = vector.broadcast %broadcast_in_dim3A_48 : bf16 to vector<32x1xbf16>
    %dot_general3A_50 = arith.constant dense<0.000000e+00> : vector<32x8192xf32>
    %dot_general3A_51 = tpu.matmul %broadcast_in_dim3A_49, %convert_element_type3A_41, %dot_general3A_50 {dimension_numbers = #tpu.dot_dimension_numbers<[1], [1], [0], [0], [0, 0, 1, 0], [], []>, transpose_lhs_hint = false} : vector<32x1xbf16>, vector<8192x1xbf16>, vector<32x8192xf32> -> vector<32x8192xf32>
    %dot_general3A_52 = arith.constant dense<0.000000e+00> : vector<32x8192xf32>
    %dot_general3A_53 = tpu.matmul %broadcast_in_dim3A_49, %convert_element_type3A_44, %dot_general3A_52 {dimension_numbers = #tpu.dot_dimension_numbers<[1], [1], [0], [0], [0, 0, 1, 0], [], []>, transpose_lhs_hint = false} : vector<32x1xbf16>, vector<8192x1xbf16>, vector<32x8192xf32> -> vector<32x8192xf32>
    %add3A_54 = arith.addf %dot_general3A_51, %dot_general3A_53 : vector<32x8192xf32>
    %dot_general3A_55 = arith.constant dense<0.000000e+00> : vector<32x8192xf32>
    %dot_general3A_56 = tpu.matmul %broadcast_in_dim3A_49, %convert_element_type3A_47, %dot_general3A_55 {dimension_numbers = #tpu.dot_dimension_numbers<[1], [1], [0], [0], [0, 0, 1, 0], [], []>, transpose_lhs_hint = false} : vector<32x1xbf16>, vector<8192x1xbf16>, vector<32x8192xf32> -> vector<32x8192xf32>
    %add3A_57 = arith.addf %add3A_54, %dot_general3A_56 : vector<32x8192xf32>
    %add3A_58 = arith.addf %add3A_57, %add3A_38 : vector<32x8192xf32>
    %iota3A = tpu.iota {dimensions = array<i32: 1>} : vector<32x8192xi32>
    %reduce_min3A = arith.constant dense<0x7F800000> : vector<32xf32>
    %reduce_min3A_59 = vector.multi_reduction <minimumf>, %add3A_58, %reduce_min3A [1] : vector<32x8192xf32> to vector<32xf32>
    %broadcast_in_dim3A_60 = vector.shape_cast %reduce_min3A_59 : vector<32xf32> to vector<32x1xf32>
    %eq3A_61 = vector.broadcast %broadcast_in_dim3A_60 : vector<32x1xf32> to vector<32x8192xf32>
    %eq3A_62 = arith.cmpf oeq, %add3A_58, %eq3A_61 : vector<32x8192xf32>
    %jit3A = arith.constant 8192 : i32
    %broadcast_in_dim3A_63 = vector.broadcast %jit3A : i32 to vector<32x8192xi32>
    %select_n3A = arith.select %eq3A_62, %iota3A, %broadcast_in_dim3A_63 : vector<32x8192xi1>, vector<32x8192xi32>
    %reduce_min3A_64 = arith.constant dense<2147483647> : vector<32xi32>
    %reduce_min3A_65 = vector.multi_reduction <minsi>, %select_n3A, %reduce_min3A_64 [1] : vector<32x8192xi32> to vector<32xi32>
    %broadcast_in_dim3A_66 = vector.shape_cast %reduce_min3A_65 : vector<32xi32> to vector<32x1xi32>
    %mul3A_67 = arith.constant 8192 : i32
    %mul3A_68 = arith.muli %arg0, %mul3A_67 : i32
    %add3A_69 = vector.broadcast %mul3A_68 : i32 to vector<32x1xi32>
    %add3A_70 = arith.addi %broadcast_in_dim3A_66, %add3A_69 : vector<32x1xi32>
    %get3A_71 = arith.constant 0 : index
    %get3A_72 = arith.constant 0 : index
    %get3A_73 = vector.load %arg4[%get3A_71, %get3A_72] : memref<32x1xf32, #tpu.memory_space<vmem>>, vector<32x1xf32>
    %get3A_74 = arith.constant 0 : index
    %get3A_75 = arith.constant 0 : index
    %get3A_76 = vector.load %arg5[%get3A_74, %get3A_75] : memref<32x1xi32, #tpu.memory_space<vmem>>, vector<32x1xi32>
    %lt3A = arith.cmpf olt, %broadcast_in_dim3A_60, %get3A_73 : vector<32x1xf32>
    %select_n3A_77 = arith.select %lt3A, %broadcast_in_dim3A_60, %get3A_73 : vector<32x1xi1>, vector<32x1xf32>
    %select_n3A_78 = arith.select %lt3A, %add3A_70, %get3A_76 : vector<32x1xi1>, vector<32x1xi32>
    %swap3A = arith.constant 0 : index
    %swap3A_79 = arith.constant 0 : index
    %swap3A_80 = vector.load %arg4[%swap3A, %swap3A_79] : memref<32x1xf32, #tpu.memory_space<vmem>>, vector<32x1xf32>
    tpu.vector_store %arg4[%swap3A, %swap3A_79], %select_n3A_77 {strides = array<i32>} : memref<32x1xf32, #tpu.memory_space<vmem>>, vector<32x1xf32>,
    %swap3A_81 = arith.constant 0 : index
    %swap3A_82 = arith.constant 0 : index
    %swap3A_83 = vector.load %arg5[%swap3A_81, %swap3A_82] : memref<32x1xi32, #tpu.memory_space<vmem>>, vector<32x1xi32>
    tpu.vector_store %arg5[%swap3A_81, %swap3A_82], %select_n3A_78 {strides = array<i32>} : memref<32x1xi32, #tpu.memory_space<vmem>>, vector<32x1xi32>,
    %eq3A_84 = arith.constant 7 : i32
    %eq3A_85 = arith.cmpi eq, %arg0, %eq3A_84 : i32
    %convert_element_type3A_86 = arith.extui %eq3A_85 : i1 to i32
    %cond3A_87 = arith.constant 0 : i32
    %cond3A_88 = arith.cmpi ne, %convert_element_type3A_86, %cond3A_87 : i32
    scf.if %cond3A_88 {
      %mul3A_89 = arith.constant 2 : i32
      %mul3A_90 = vector.broadcast %mul3A_89 : i32 to vector<32x1xi32>
      %mul3A_91 = arith.muli %mul3A_90, %select_n3A_78 : vector<32x1xi32>
      %swap3A_92 = arith.constant 0 : index
      %swap3A_93 = arith.constant 0 : index
      %swap3A_94 = vector.load %arg3[%swap3A_92, %swap3A_93] : memref<32x2xi32, #tpu.memory_space<vmem>>, vector<32x1xi32>
      tpu.vector_store %arg3[%swap3A_92, %swap3A_93], %mul3A_91 {strides = array<i32>} : memref<32x2xi32, #tpu.memory_space<vmem>>, vector<32x1xi32>,
      %mul3A_95 = arith.constant 2 : i32
      %mul3A_96 = vector.broadcast %mul3A_95 : i32 to vector<32x1xi32>
      %mul3A_97 = arith.muli %mul3A_96, %select_n3A_78 : vector<32x1xi32>
      %add3A_98 = arith.constant 1 : i32
      %add3A_99 = vector.broadcast %add3A_98 : i32 to vector<32x1xi32>
      %add3A_100 = arith.addi %mul3A_97, %add3A_99 : vector<32x1xi32>
      %swap3A_101 = arith.constant 0 : index
      %swap3A_102 = arith.constant 1 : index
      %swap3A_103 = vector.load %arg3[%swap3A_101, %swap3A_102] : memref<32x2xi32, #tpu.memory_space<vmem>>, vector<32x1xi32>
      tpu.vector_store %arg3[%swap3A_101, %swap3A_102], %add3A_100 {strides = array<i32>} : memref<32x2xi32, #tpu.memory_space<vmem>>, vector<32x1xi32>,
    } else {
    }
    return
  }
  func.func @transform_0(%arg0: i32) -> (i32, i32) {
    %c0_i32 = arith.constant 0 : i32
    %c0_i32_0 = arith.constant 0 : i32
    %c0_i32_1 = arith.constant 0 : i32
    return %c0_i32, %c0_i32_0 : i32, i32
  }
  func.func @transform_1(%arg0: i32) -> (i32, i32, i32) {
    %c0_i32 = arith.constant 0 : i32
    %c0_i32_0 = arith.constant 0 : i32
    %c0_i32_1 = arith.constant 0 : i32
    return %c0_i32, %arg0, %c0_i32_0 : i32, i32, i32
  }
  func.func @transform_2(%arg0: i32) -> (i32, i32) {
    %c0_i32 = arith.constant 0 : i32
    %c0_i32_0 = arith.constant 0 : i32
    %c0_i32_1 = arith.constant 0 : i32
    return %c0_i32, %c0_i32_0 : i32, i32
  }
}

</mosaic_0001>

<sc_bundles>
// kernel: kernel.4.cloned.1.call-start
scs
__scs_entry_jumppad:
0x0: {  	(pc) =	sbr.rel $0x88, $3  }
0x1: {  	(tag) =	ssettag $0x0;
	lr =	simm.s32 $0x1  }
0x2: {  	[smem:$0x3F9E] =	sst lr;
	_ =	strace $0xD0000000  }
0x3: {  	_ = 	snop  }
0x4: {  	_ = 	snop  }
0x5: {  	_ = 	snop  }
0x6: {  	_ = 	snop  }
0x7: {  	_ = 	snop  }
__scs_overlays_trampoline_lowered:
0x8: {  	[smem:$0x3FAD] =	sst s0  }
0x9: {  	[smem:$0x3FAE] =	sst s1  }
0xa: {  	[smem:$0x3FAF] =	sst s2  }
0xb: {  	[smem:$0x3FB0] =	sst s3  }
0xc: {  	[smem:$0x3FB1] =	sst s4  }
0xd: {  	[smem:$0x3FB2] =	sst s5  }
0xe: {  	[smem:$0x3FB3] =	sst s6  }
0xf: {  	[smem:$0x3FB4] =	sst s7  }
0x10: {  	[smem:$0x3FB5] =	sst s8  }
0x11: {  	[smem:$0x3FB6] =	sst s9;
	s0 =	simm.s32 @!p0 $0x0  }
0x12: {  	s1 =	sld [smem:$0x3F9C];
	s0 =	simm.s32 @p0 $0x1  }
0x13: {  	[smem:$0x3FB7] =	sst s0;
	s0 =	simm.s32 @!p1 $0x0  }
0x14: {  	s2 =	sld [smem:$0x3F9B];
	s0 =	simm.s32 @p1 $0x1  }
0x15: {  	[smem:$0x3FB8] =	sst s0;
	s0 =	simm.s32 @!p2 $0x0  }
0x16: {  	s3 =	sld [smem:$0x3FDB];
	s0 =	simm.s32 @p2 $0x1  }
0x17: {  	s4 =	simm.s32 $0x1BF5;
	[smem:$0x3FBA] =	sst s0  }
0x18: {  	s0 =	sld [smem:$0x3F9D];
	_ =	swait.ge [sflag:s4], $0x0  }
0x19: {  	s7 =	sld [smem:$0x3F9E]  }
0x1a: {  	s8 =	sadd.s32 $0xFFFFE003, lr  }
0x1b: {  	s9 =	sadd.s32 $0xFFFFFEF7, lr;
	s5 =	simm.s32 $0xFFFFFFFF;
	p2 =	slt.u32 s8, $0xFFFFF086  }
0x1c: {  	p1 =	slt.u32 s9, $0xF7A;
	s5 =	simm.s32 @!p2 $0x0  }
0x1d: {  	s5 =	simm.s32 @p1 $0x1;
	p0 =	seq.s32 s7, s2  }
0x1e: {  	s7 =	smul.u32 @!p0 $0xF7A, s2;
	p2 =	seq.s32 @!p0 s5, $0x0  }
0x1f: {  	s9 =	smul.u32 $0xF7A, s1;
	s8 =	simm.s32 @!p0 $0x1BF5;
	p2 =	por !p2, p0  }
0x20: {  	[sflag:s8] =	ssyncset.s32 @!p0 $0xFFFFF086;
	s6 =	sadd.s32 @!p0 s3, s7;
	s7 =	simm.s32 @!p0 $0x108  }
0x21: {  	s3 =	sadd.s32 s3, s9;
	s6 =	sadd.s32 @!p0 $0x88, s6;
	s7 =	simm.s32 @p2 $0x1082  }
0x22: {  	[simem:s7], [sflag:s8] =	dma.local @!p0 [hbm:s6], $0xF7A  }
0x23: {  	s9 =	sor.u32 $0xD0000000, s2;
	s6 =	simm.s32 $0x108;
	_ =	swait.ge @!p0 [sflag:s8], $0x0  }
0x24: {  	s3 =	sadd.s32 $0x88, s3;
	s6 =	simm.s32 @!p1 $0x1082;
	[sflag:s4] =	ssyncset.s32 $0xFFFFF086  }
0x25: {  	[simem:s6], [sflag:s4] =	dma.local [hbm:s3], $0xF7A  }
0x26: {  	[smem:$0x3F9E] =	sst s1;
	(tag) =	ssettag s2;
	_ =	strace s9  }
0x27: {  	s1 =	sld [smem:$0x3FAE]  }
0x28: {  	s2 =	sld [smem:$0x3FAF]  }
0x29: {  	s4 =	sld [smem:$0x3FB1]  }
0x2a: {  	p0 =	seq.s32 s5, $0x0;
	s5 =	sld [smem:$0x3FB2]  }
0x2b: {  	s6 =	sld [smem:$0x3FB3]  }
0x2c: {  	s7 =	sld [smem:$0x3FB4]  }
0x2d: {  	s3 =	simm.s32 $0x108;
	s8 =	sld [smem:$0x3FB5]  }
0x2e: {  	s3 =	simm.s32 @!p0 $0x1082;
	s9 =	sld [smem:$0x3FB6]  }
0x2f: {  	lr =	sadd.s32 s0, s3;
	s0 =	sld [smem:$0x3FAD]  }
0x30: {  	s3 =	sld [smem:$0x3FB0]  }
0x31: {  	[smem:$0x3FB9] =	sst s10  }
0x32: {  	s10 =	sld [smem:$0x3FB7];
	_ =	sdelay $0x3  }
0x33: {  	p0 =	seq.s32 s10, $0x1;
	s10 =	sld [smem:$0x3FB9];
	_ =	sdelay $0x3  }
0x34: {  	[smem:$0x3FB9] =	sst s10  }
0x35: {  	s10 =	sld [smem:$0x3FB8];
	_ =	sdelay $0x3  }
0x36: {  	p1 =	seq.s32 s10, $0x1;
	s10 =	sld [smem:$0x3FB9];
	_ =	sdelay $0x3  }
0x37: {  	[smem:$0x3FB9] =	sst s10  }
0x38: {  	s10 =	sld [smem:$0x3FBA]  }
0x39: {  	_ = 	snop;
	(pc) =	sbr.ind lr, $3  }
0x3a: {  	_ = 	snop  }
0x3b: {  	_ = 	snop  }
0x3c: {  	p2 =	seq.s32 s10, $0x1;
	s10 =	sld [smem:$0x3FB9]  }
0x3d: {  	_ =	shalt  }
0x3e: {  	_ =	shalt  }
0x3f: {  	_ =	shalt  }
0x40: {  	_ =	shalt  }
0x41: {  	_ =	shalt  }
0x42: {  	_ =	shalt  }
0x43: {  	_ =	shalt  }
0x44: {  	_ =	shalt  }
0x45: {  	_ =	shalt  }
0x46: {  	_ =	shalt  }
0x47: {  	_ =	shalt  }
0x48: {  	_ =	shalt  }
0x49: {  	_ =	shalt  }
0x4a: {  	_ =	shalt  }
0x4b: {  	_ =	shalt  }
0x4c: {  	_ =	shalt  }
0x4d: {  	_ =	shalt  }
0x4e: {  	_ =	shalt  }
0x4f: {  	_ =	shalt  }
0x50: {  	_ =	shalt  }
0x51: {  	_ =	shalt  }
0x52: {  	_ =	shalt  }
0x53: {  	_ =	shalt  }
0x54: {  	_ =	shalt  }
0x55: {  	_ =	shalt  }
0x56: {  	_ =	shalt  }
0x57: {  	_ =	shalt  }
0x58: {  	_ =	shalt  }
0x59: {  	_ =	shalt  }
0x5a: {  	_ =	shalt  }
0x5b: {  	_ =	shalt  }
0x5c: {  	_ =	shalt  }
0x5d: {  	_ =	shalt  }
0x5e: {  	_ =	shalt  }
0x5f: {  	_ =	shalt  }
0x60: {  	_ =	shalt  }
0x61: {  	_ =	shalt  }
0x62: {  	_ =	shalt  }
0x63: {  	_ =	shalt  }
0x64: {  	_ =	shalt  }
0x65: {  	_ =	shalt  }
0x66: {  	_ =	shalt  }
0x67: {  	_ =	shalt  }
0x68: {  	_ =	shalt  }
0x69: {  	_ =	shalt  }
0x6a: {  	_ =	shalt  }
0x6b: {  	_ =	shalt  }
0x6c: {  	_ =	shalt  }
0x6d: {  	_ =	shalt  }
0x6e: {  	_ =	shalt  }
0x6f: {  	_ =	shalt  }
0x70: {  	_ =	shalt  }
0x71: {  	_ =	shalt  }
0x72: {  	_ =	shalt  }
0x73: {  	_ =	shalt  }
0x74: {  	_ =	shalt  }
0x75: {  	_ =	shalt  }
0x76: {  	_ =	shalt  }
0x77: {  	_ =	shalt  }
0x78: {  	_ =	shalt  }
0x79: {  	_ =	shalt  }
0x7a: {  	_ =	shalt  }
0x7b: {  	_ =	shalt  }
0x7c: {  	_ =	shalt  }
0x7d: {  	_ =	shalt  }
0x7e: {  	_ =	shalt  }
0x7f: {  	_ =	shalt  }
0x80: {  	_ =	shalt  }
0x81: {  	_ =	shalt  }
0x82: {  	_ =	shalt  }
0x83: {  	_ =	shalt  }
0x84: {  	_ =	shalt  }
0x85: {  	_ =	shalt  }
0x86: {  	_ =	shalt  }
0x87: {  	_ =	shalt  }
.Lfunc_end0:
.L_simem_size_0:
called_computation_lowered:
.L_overlay_start_0:
0x88: {  	s2 =	sld [smem:$0x3FD9]  }
0x89: {  	s3 =	sld [smem:$0x3FFE];
	_ =	sdelay $0x1  }
0x8a: {  	s1 =	srdreg.scid  }
0x8b: {  	s0 =	sand.u32 $0x1, s1  }
0x8c: {  	s17 =	sshll.u32 s0, $0xA;
	s2 =	sadd.s32 s3, s2  }
0x8d: {  	s2 =	sadd.s32 s2, s17  }
0x8e: {  	[smem:$0x3FC5] =	sst s2  }
0x8f: {  	_ = 	snop  }
0x90: {  	s2 =	sld [smem:$0x3FD0];
	(tm) =	ssettm $0x1  }
0x91: {  	s18 =	sld [smem:$0x3FFB];
	_ =	sdelay $0x3  }
0x92: {  	_ =	strace s18  }
0x93: {  	s3 =	sld [smem:$0x3FFC];
	_ =	sdelay $0x3  }
0x94: {  	_ =	strace s3  }
0x95: {  	s3 =	sld [smem:$0x3FFD];
	_ =	sdelay $0x3  }
0x96: {  	_ =	strace s3  }
0x97: {  	_ =	strace $0x8FFFFFFF  }
0x98: {  	s19 =	sld [smem:$0x3FDB];
	_ =	sdelay $0x1  }
0x99: {  	s4 =	simm.s32 $_scs_section_size  }
0x9a: {  	s5 =	simm.s32 $_size__tile_overlayer_lowered;
	s6 =	simm.s32 $_tile_overlayer_lowered  }
0x9b: {  	s22 =	simm.s32 $0x1BFF;
	s21 =	sshll.u32 s6, $0x1;
	s3 =	sadd.s32 s4, s19  }
0x9c: {  	s7 =	simm.s32 $0x0;
	s20 =	sshll.u32 s5, $0x1;
	s5 =	sadd.s32 s21, s3  }
0x9d: {  	[timem:s7], [sflag:s22] =	dma.local [hbm:s5], s20  }
0x9e: {  	_ =	swait.ge [sflag:s22], s20  }
0x9f: {  	s4 =	ssub.s32 $0x0, s20;
	[sflag:s22] =	ssyncset.done $0x0  }
0xa0: {  	[sflag:s22] =	ssyncadd.s32 s4;
	_ =	sdelay $0x1  }
0xa1: {  	s23 =	simm.s32 $0x1B8B  }
0xa2: {  	_ =	swait.ge [sflag:s23], $0x1  }
0xa3: {  	[sflag:s23] =	ssyncset.done $0x0  }
0xa4: {  	s25 =	simm.s32 $0x1B8E;
	s24 =	sld [smem:$0x3FFE];
	[sflag:s23] =	ssyncadd.s32 $0xFFFFFFFF  }
0xa5: {  	s26 =	simm.s32 $execute0_lowered;
	[smem:$0x3FD2] =	sst s25  }
0xa6: {  	s5 =	sshll.u32 s26, $0x1;
	_ =	strace $0x80000046;
	[dreg:$0x1] =	wrdreg $0xFFFFFFFF  }
0xa7: {  	s28 =	simm.s32 $_size_execute0_lowered;
	s3 =	sadd.s32 s3, s5;
	[dreg:$0x0] =	wrdreg $0x0  }
0xa8: {  	s5 =	sshll.u32 s28, $0x1;
	[dreg:$0x2] =	wrdreg s3  }
0xa9: {  	[dreg:$0x3] =	wrdreg s5  }
0xaa: {  	[dreg:$0x4] =	wrdreg $0xC0  }
0xab: {  	_ =	task [dreg:s7], $0x5FFFF  }
0xac: {  	[dreg:$0x1] =	wrdreg $0xFFFFFFFF  }
0xad: {  	[dreg:$0x0] =	wrdreg $0x60  }
0xae: {  	[dreg:$0x2] =	wrdreg s24  }
0xaf: {  	[dreg:$0x3] =	wrdreg s2  }
0xb0: {  	[dreg:$0x4] =	wrdreg $0x9  }
0xb1: {  	_ =	task.clear_ibuf [dreg:s7], $0x5FFFF;
	_ =	strace $0x90000046  }
0xb2: {  	s29 =	simm.s32 $0x9;
	_ =	strace $0x80000048  }
0xb3: {  	_ =	swait.ge [sflag:s29], $0x1  }
0xb4: {  	[sflag:s29] =	ssyncadd.s32 $0xFFFFFFFF  }
0xb5: {  	_ =	strace $0x90000048  }
0xb6: {  	_ =	sfence  }
0xb7: {  	s30 =	sld [smem:$0x0];
	_ =	sdelay $0x2  }
0xb8: {  	s31 =	sshll.u32 s1, $0xD;
	s1 =	sshrl.u32 s1, $0x2  }
0xb9: {  	s3 =	sand.u32 $0x4000, s31;
	s1 =	sadd.s32 s1, s30  }
0xba: {  	s0 =	sor.u32 s3, s0;
	s1 =	sshll.u32 s1, $0x11  }
0xbb: {  	s0 =	sor.u32 s1, s0  }
0xbc: {  	s0 =	sadd.s32 $0x8F2B, s0  }
0xbd: {  	[sflag:s0] =	ssyncadd.remote.s32 $0x1  }
0xbe: {  	_ =	sfence.sel $0xFFFF  }
0xbf: {  	[dreg:$0x0] =	wrdreg $0xFFFFFFFF;
	(pc) =	sbr.abs _section_cstart, $3  }
0xc0: {  	[dreg:$0x1] =	wrdreg $0xFFFFFFFF  }
0xc1: {  	_ =	task.clear_ibuf [dreg:s7], $0x2FFFF;
	_ =	strace $0x9FFFFFFF  }
0xc2: {  	(tm) =	ssettm $0x7FFFFFFF  }
0xc3: {  	_ =	shalt  }
tec
execute0_lowered:
.L_overlay_start_1:
0x0: {  	(tag) =	ssettag $0x1  }
0x1: {  	s0 =	srdreg.scid  }
0x2: {  	s6 =	sand.u32 $0x1, s0;
	s0 =	stileid.u32  }
0x3: {  	s3 =	sshll.u32 s0, $0x1;
	s4 =	ssub.s32 $0x0, s6  }
0x4: {  	p0 =	sne.s32 s3, s4  }
.Ltmp0:
0x5: {  	_ = 	snop;
	(pc) =	sbr.rel @p0 .LBB2_4-.Ltmp0, $4  }
0x6: {  	_ = 	snop  }
0x7: {  	s9 =	rddreg [dreg:$0x0]  }
0x8: {  	s2 =	rddreg [dreg:$0x1]  }
0x9: {  	s1 =	rddreg [dreg:$0x2];
	_ =	strace $0x80000047  }
0xa: {  	s4 =	simm.s32 $0x0  }
0xb: {  	s3 =	simm.s32 $0x2;
	s5 =	sadd.s32 $0x100E00, s9;
	s10 =	ssub.s32 $0x2, s6  }
0xc: {  	[tilespmem:s4], [sflag:$0x2] =	stream.linear.gather [hbm4b:s2+s4], $0x80, $0x38;
	[tilespmem:$0x100] =	vst v63  }
0xd: {  	s6 =	simm.s32 $0x40;
	s11 =	sshrl.u32 s10, $0x1;
	_ =	swait.ge [sflag:s3], $0x80  }
0xe: {  	s7 =	simm.s32 $0x80;
	s10 =	ssub.s32 s10, s11;
	[sflag:s3] =	ssyncset.done $0x0  }
0xf: {  	s8 =	simm.s32 $0x1;
	s10 =	smax.u32 s10, $0x1;
	[sflag:s3] =	ssyncadd.s32 $0xFFFFFF80  }
0x10: {  	[tilespmem:s7], [sflag:$0x1] =	stream.indirect.gather [hbm4b:s5+s6], $0x1, s4, s6, $0xb8;
	[tilespmem:$0x100] =	vst v63  }
0x11: {  	p0 =	sne.s32 s10, $0x1;
	_ =	swait.ge [sflag:s8], $0x40  }
.Ltmp1:
0x12: {  	[sflag:s8] =	ssyncset.done $0x0;
	(pc) =	sbr.rel @!p0 .LBB2_3-.Ltmp1, $4  }
0x13: {  	s9 =	sadd.s32 $0xE00, s9;
	[sflag:s8] =	ssyncadd.s32 $0xFFFFFFC0  }
0x14: {  	[hbm4b:s9+s4] =	stream.linear.scatter [tilespmem:s7], [sflag:$0x2], $0x80, $0x38;
	[tilespmem:$0x100] =	vst v63  }
0x15: {  	_ =	swait.ge [sflag:s3], $0x80  }
0x16: {  	s10 =	sadd.s32 $0xFFFFFFFF, s10;
	[sflag:s3] =	ssyncset.done $0x0  }
.LBB2_2:
0x17: {  	p0 =	sne.s32 s10, $0x1;
	s10 =	sadd.s32 $0xFFFFFFFF, s10;
	[sflag:s3] =	ssyncadd.s32 $0xFFFFFF80  }
0x18: {  	[tilespmem:s4], [sflag:$0x2] =	stream.linear.gather [hbm4b:s2+s4], $0x80, $0x38;
	[tilespmem:$0x100] =	vst v63  }
0x19: {  	_ =	swait.ge [sflag:s3], $0x80  }
0x1a: {  	[sflag:s3] =	ssyncset.done $0x0  }
0x1b: {  	[sflag:s3] =	ssyncadd.s32 $0xFFFFFF80  }
0x1c: {  	[tilespmem:s7], [sflag:$0x1] =	stream.indirect.gather [hbm4b:s5+s6], $0x1, s4, s6, $0xb8;
	[tilespmem:$0x100] =	vst v63  }
0x1d: {  	_ =	swait.ge [sflag:s8], $0x40  }
.Ltmp2:
0x1e: {  	[sflag:s8] =	ssyncset.done $0x0;
	(pc) =	sbr.rel @p0 .LBB2_2-.Ltmp2, $4  }
0x1f: {  	[sflag:s8] =	ssyncadd.s32 $0xFFFFFFC0  }
0x20: {  	[hbm4b:s9+s4] =	stream.linear.scatter [tilespmem:s7], [sflag:$0x2], $0x80, $0x38;
	[tilespmem:$0x100] =	vst v63  }
0x21: {  	_ =	swait.ge [sflag:s3], $0x80  }
0x22: {  	[sflag:s3] =	ssyncset.done $0x0  }
.LBB2_3:
0x23: {  	[sflag:s3] =	ssyncadd.s32 $0xFFFFFF80  }
.LBB2_4:
0x24: {  	_ =	sfence.sel $0x180000  }
0x25: {  	[bflag:$0x0] =	sbarrier.arrive $0xFFFF  }
0x26: {  	p0 =	sne.s32 s0, $0x0;
	_ =	strace $0x90000047  }
0x27: {  	s0 =	sadd.s32 @!p0 $0x100000, s1;
	[bflag:$0x2] =	sbarrier.arrive $0xFFFF  }
0x28: {  	[sflag:s0] =	ssyncadd.tile.s32 @!p0 $0x1;
	_ =	shalt  }
.Lfunc_end2:
_tile_overlayer_lowered:
.L_overlay_start_2:
0x29: {  	(tag) =	ssettag $0x2  }
0x2a: {  	s0 =	rddreg [dreg:$0x0];
	s2 =	stileid.u32  }
0x2b: {  	s1 =	rddreg [dreg:$0x1];
	p0 =	sne.s32 s2, $0x0  }
0x2c: {  	s3 =	rddreg [dreg:$0x2];
	[bflag:$0x3] =	sbarrier.arrive $0xFFFF;
	s2 =	simm.s32 @!p0 $0x1C02  }
0x2d: {  	[timem:s3], [sflag:s2] =	dma.local @!p0 [hbm:s0], s1  }
0x2e: {  	s0 =	simm.s32 @!p0 $0x2  }
0x2f: {  	_ =	swait.ge @!p0 [sflag:s0], s1  }
0x30: {  	s1 =	ssub.s32 @!p0 $0x0, s1;
	[sflag:s0] =	ssyncset.done @!p0 $0x0  }
0x31: {  	[sflag:s0] =	ssyncadd.s32 @!p0 s1  }
0x32: {  	[bflag:$0x3] =	sbarrier.arrive $0xFFFF  }
0x33: {  	_ =	shalt  }

</sc_bundles>
